<compile_context>
chip_gen: v7x
topology: tpu7x:2x2x1
jax: 0.10.2.dev20260603
libtpu: 0.0.44.dev20260713+nightly
codegen_flags: <defaults>
</compile_context>

<pallas_src>
import functools

import jax
import jax.numpy as jnp
from jax import lax
from jax.experimental import pallas as pl
from jax.experimental.pallas import tpu as pltpu
from jax.experimental.pallas import tpu_sc as plsc

_LANES = 16


def _bcast(ref, idx):
    return plsc.load_gather(ref, [jnp.full((_LANES,), idx, jnp.int32)])


def _sc_body(num_cores, rows_per_worker, x_hbm, w_hbm, b_hbm, r_hbm, y_hbm,
             x_v, w_v, b_v, r_v, y_v, sem, sem_x):
    wid = lax.axis_index("s") * num_cores + lax.axis_index("c")
    base = wid * rows_per_worker

    cp_x = pltpu.async_copy(
        x_hbm.at[pl.ds(base * 4, rows_per_worker * 4)], x_v, sem_x
    )
    cps = [
        pltpu.async_copy(w_hbm, w_v, sem),
        pltpu.async_copy(b_hbm, b_v, sem),
        pltpu.async_copy(r_hbm, r_v, sem),
    ]
    for cp in cps:
        cp.wait()

    rb = [-_bcast(r_v, o) for o in range(2)]
    coef = [[rb[o] * _bcast(w_v, 28 + 4 * o + c) for c in range(4)]
            for o in range(2)]
    bias = [-_bcast(b_v, o) for o in range(2)]

    cp_x.wait()

    iota = lax.iota(jnp.int32, _LANES)
    init = ([iota * 4 + c for c in range(4)], [iota * 2 + o for o in range(2)])

    @plsc.parallel_loop(0, rows_per_worker // _LANES, unroll=2, carry=init)
    def step(i, idx):
        xidx, yidx = idx
        cols = [plsc.load_gather(x_v, [xidx[c]]) for c in range(4)]
        for o in range(2):
            acc = bias[o]
            for c in range(4):
                acc = acc + coef[o][c] * cols[c]
            out = 1.0 / (1.0 + jnp.exp(acc))
            plsc.store_scatter(y_v, [yidx[o]], out)
        return ([v + (4 * _LANES) for v in xidx],
                [v + (2 * _LANES) for v in yidx])

    pltpu.sync_copy(y_v, y_hbm.at[pl.ds(base * 2, rows_per_worker * 2)])


def kernel(inputs, W, b, r):
    batch = inputs.shape[0]
    info = plsc.get_sparse_core_info()
    num_workers = info.num_cores * info.num_subcores
    rows_per_worker = batch // num_workers

    mesh = plsc.VectorSubcoreMesh(core_axis_name="c", subcore_axis_name="s")
    run = pl.kernel(
        functools.partial(_sc_body, info.num_cores, rows_per_worker),
        out_type=jax.ShapeDtypeStruct((batch * 2,), jnp.float32),
        mesh=mesh,
        compiler_params=pltpu.CompilerParams(needs_layout_passes=False),
        scratch_types=[
            pltpu.VMEM((rows_per_worker * 4,), jnp.float32),
            pltpu.VMEM((W.shape[0],), jnp.float32),
            pltpu.VMEM((b.shape[0],), jnp.float32),
            pltpu.VMEM((r.shape[0],), jnp.float32),
            pltpu.VMEM((rows_per_worker * 2,), jnp.float32),
            pltpu.SemaphoreType.DMA,
            pltpu.SemaphoreType.DMA,
        ],
    )
    return run(inputs.reshape(-1), W, b, r).reshape(batch, 2)

# --- scband reference (transcript-rebuilt; emitter-appended) ---
"""Pipeline reference for scband-recurrent-network-88493506167254 (READ-ONLY COPY).

The authoritative reference and input builder live on the scoring server;
editing this copy changes nothing except your own understanding.
"""

import jax, jax.numpy as jnp
import numpy as np

INPUT_KEY2IDX = {-1: 0, -2: 1, -3: 2, -4: 3}
NEURON_KEY2IDX = {0: 0, 1: 1, 2: 2, 3: 3, 4: 4, 5: 5}
EVAL_ORDER = [0, 1, 2, 3, 4, 5]
OUTPUT_IDS = [0, 1]

def _build_edges():
    edges = []
    for h in [2, 3, 4, 5]:
        for i in [-1, -2, -3, -4]:
            edges.append((i, h))
    edges += [(2, 3), (3, 4), (4, 5), (5, 2)]
    for o in [0, 1]:
        for h in [2, 3, 4, 5]:
            edges.append((h, o))
    for o in [0, 1]:
        for i in [-1, -2, -3, -4]:
            edges.append((i, o))
    return edges

def setup_inputs(seed: int = 0):
    key = jax.random.key(seed)
    inputs = jax.random.normal(key, (16384, 4), dtype=jnp.float32)
    # learned parameters, matching init_kwargs exactly (edge order = insertion order of connections dict)
    W = jnp.array([0.5] * 16 + [0.2] * 4 + [0.3] * 8 + [0.4] * 8, dtype=jnp.float32)
    b = jnp.full((6,), 0.1, dtype=jnp.float32)
    r = jnp.ones((6,), dtype=jnp.float32)
    return {"inputs": inputs, "W": W, "b": b, "r": r}

def reference(inputs, W, b, r):
    # Equivalent to RecurrentNetwork.activate(inputs, n_passes=1):
    # node_activs initialized to zeros, then one forward pass.
    edges = _build_edges()
    batch = inputs.shape[0]
    node_activs = jnp.zeros((batch, 6), dtype=inputs.dtype)
    after = jnp.zeros_like(node_activs)
    for nk in EVAL_ORDER:
        contribs = []
        for e_idx, (src, dst) in enumerate(edges):
            if dst != nk:
                continue
            if src < 0:
                contribs.append(W[e_idx] * inputs[:, INPUT_KEY2IDX[src]])
            else:
                contribs.append(W[e_idx] * node_activs[:, NEURON_KEY2IDX[src]])
        if contribs:
            stacked = jnp.stack(contribs, axis=0)  # (n_incoming, batch)
            agg = jnp.sum(stacked.T, axis=-1)      # sum_aggregation over incoming
            out = jax.nn.sigmoid(b[NEURON_KEY2IDX[nk]] + r[NEURON_KEY2IDX[nk]] * agg)
        else:
            out = jnp.zeros((batch,), dtype=inputs.dtype)
        after = after.at[:, NEURON_KEY2IDX[nk]].set(out)
    # original returns after_pass_node_activs[:, self.output_neuron_ids]
    return after[:, jnp.array(OUTPUT_IDS)]

if __name__ == "__main__":
    import jax
    _d = setup_inputs()
    print(jax.jit(kernel)(*tuple(_d.values())))

</pallas_src>

<mosaic_0001>
#map = affine_map<(d0, d1) -> (0)>
module attributes {stable_mosaic.version = 14 : i64} {
  func.func @_sc_body(%arg0: i32, %arg1: i32, %arg2: memref<65536xf32, #tpu.memory_space<hbm>>, %arg3: memref<36xf32, #tpu.memory_space<hbm>>, %arg4: memref<6xf32, #tpu.memory_space<hbm>>, %arg5: memref<6xf32, #tpu.memory_space<hbm>>, %arg6: memref<32768xf32, #tpu.memory_space<hbm>>, %arg7: memref<2048xf32, #tpu.memory_space<vmem>>, %arg8: memref<36xf32, #tpu.memory_space<vmem>>, %arg9: memref<6xf32, #tpu.memory_space<vmem>>, %arg10: memref<6xf32, #tpu.memory_space<vmem>>, %arg11: memref<1024xf32, #tpu.memory_space<vmem>>, %arg12: memref<!tpu.dma_semaphore, #tpu.memory_space<semaphore_mem>>, %arg13: memref<!tpu.dma_semaphore, #tpu.memory_space<semaphore_mem>>) attributes {dimension_semantics = [#tpu.dimension_semantics<core_parallel>, #tpu.dimension_semantics<subcore_parallel>], iteration_bounds = array<i64: 2, 16>, scalar_prefetch = 0 : i64, scratch_operands = 7 : i64, tpu.core_type = #tpu.core_type<sc_vector_subcore>, window_params = [{transform_indices = #map}, {transform_indices = #map}, {transform_indices = #map}, {transform_indices = #map}, {transform_indices = #map}]} {
    %mul3A = arith.constant 2 : i32
    %mul3A_0 = arith.muli %arg1, %mul3A : i32
    %add3A = arith.addi %mul3A_0, %arg0 : i32
    %mul3A_1 = arith.constant 512 : i32
    %mul3A_2 = arith.muli %add3A, %mul3A_1 : i32
    %mul3A_3 = arith.constant 4 : i32
    %mul3A_4 = arith.muli %mul3A_2, %mul3A_3 : i32
    %dma_start3A = tpu.memref_slice %arg2[%mul3A_4] : memref<65536xf32, #tpu.memory_space<hbm>> -> memref<2048xf32, #tpu.memory_space<hbm>>
    %dma_start3A_5 = tpu.memref_slice %arg2[%mul3A_4] : memref<65536xf32, #tpu.memory_space<hbm>> -> memref<2048xf32, #tpu.memory_space<hbm>>
    tpu.enqueue_dma source(%dma_start3A_5 : memref<2048xf32, #tpu.memory_space<hbm>>) target(%arg7 : memref<2048xf32, #tpu.memory_space<vmem>>) target_semaphore(%arg13 : memref<!tpu.dma_semaphore, #tpu.memory_space<semaphore_mem>>)
    tpu.enqueue_dma source(%arg3 : memref<36xf32, #tpu.memory_space<hbm>>) target(%arg8 : memref<36xf32, #tpu.memory_space<vmem>>) target_semaphore(%arg12 : memref<!tpu.dma_semaphore, #tpu.memory_space<semaphore_mem>>)
    tpu.enqueue_dma source(%arg4 : memref<6xf32, #tpu.memory_space<hbm>>) target(%arg9 : memref<6xf32, #tpu.memory_space<vmem>>) target_semaphore(%arg12 : memref<!tpu.dma_semaphore, #tpu.memory_space<semaphore_mem>>)
    tpu.enqueue_dma source(%arg5 : memref<6xf32, #tpu.memory_space<hbm>>) target(%arg10 : memref<6xf32, #tpu.memory_space<vmem>>) target_semaphore(%arg12 : memref<!tpu.dma_semaphore, #tpu.memory_space<semaphore_mem>>)
    tpu.wait_dma2 semaphore(%arg12 : memref<!tpu.dma_semaphore, #tpu.memory_space<semaphore_mem>>) src(%arg3 : memref<36xf32, #tpu.memory_space<hbm>>) dst(%arg8 : memref<36xf32, #tpu.memory_space<vmem>>)
    tpu.wait_dma2 semaphore(%arg12 : memref<!tpu.dma_semaphore, #tpu.memory_space<semaphore_mem>>) src(%arg4 : memref<6xf32, #tpu.memory_space<hbm>>) dst(%arg9 : memref<6xf32, #tpu.memory_space<vmem>>)
    tpu.wait_dma2 semaphore(%arg12 : memref<!tpu.dma_semaphore, #tpu.memory_space<semaphore_mem>>) src(%arg5 : memref<6xf32, #tpu.memory_space<hbm>>) dst(%arg10 : memref<6xf32, #tpu.memory_space<vmem>>)
    %broadcast_in_dim3A = arith.constant 0 : i32
    %broadcast_in_dim3A_6 = vector.broadcast %broadcast_in_dim3A : i32 to vector<16xi32>
    %gather3A = tpu.vector_load_idx %arg10[%broadcast_in_dim3A_6] : memref<6xf32, #tpu.memory_space<vmem>>[vector<16xi32>], vector<16xf32>,
    %neg3A = arith.constant 0.000000e+00 : f32
    %neg3A_7 = vector.broadcast %neg3A : f32 to vector<16xf32>
    %neg3A_8 = arith.subf %neg3A_7, %gather3A : vector<16xf32>
    %broadcast_in_dim3A_9 = arith.constant 1 : i32
    %broadcast_in_dim3A_10 = vector.broadcast %broadcast_in_dim3A_9 : i32 to vector<16xi32>
    %gather3A_11 = tpu.vector_load_idx %arg10[%broadcast_in_dim3A_10] : memref<6xf32, #tpu.memory_space<vmem>>[vector<16xi32>], vector<16xf32>,
    %neg3A_12 = arith.constant 0.000000e+00 : f32
    %neg3A_13 = vector.broadcast %neg3A_12 : f32 to vector<16xf32>
    %neg3A_14 = arith.subf %neg3A_13, %gather3A_11 : vector<16xf32>
    %broadcast_in_dim3A_15 = arith.constant 28 : i32
    %broadcast_in_dim3A_16 = vector.broadcast %broadcast_in_dim3A_15 : i32 to vector<16xi32>
    %gather3A_17 = tpu.vector_load_idx %arg8[%broadcast_in_dim3A_16] : memref<36xf32, #tpu.memory_space<vmem>>[vector<16xi32>], vector<16xf32>,
    %mul3A_18 = arith.mulf %neg3A_8, %gather3A_17 : vector<16xf32>
    %broadcast_in_dim3A_19 = arith.constant 29 : i32
    %broadcast_in_dim3A_20 = vector.broadcast %broadcast_in_dim3A_19 : i32 to vector<16xi32>
    %gather3A_21 = tpu.vector_load_idx %arg8[%broadcast_in_dim3A_20] : memref<36xf32, #tpu.memory_space<vmem>>[vector<16xi32>], vector<16xf32>,
    %mul3A_22 = arith.mulf %neg3A_8, %gather3A_21 : vector<16xf32>
    %broadcast_in_dim3A_23 = arith.constant 30 : i32
    %broadcast_in_dim3A_24 = vector.broadcast %broadcast_in_dim3A_23 : i32 to vector<16xi32>
    %gather3A_25 = tpu.vector_load_idx %arg8[%broadcast_in_dim3A_24] : memref<36xf32, #tpu.memory_space<vmem>>[vector<16xi32>], vector<16xf32>,
    %mul3A_26 = arith.mulf %neg3A_8, %gather3A_25 : vector<16xf32>
    %broadcast_in_dim3A_27 = arith.constant 31 : i32
    %broadcast_in_dim3A_28 = vector.broadcast %broadcast_in_dim3A_27 : i32 to vector<16xi32>
    %gather3A_29 = tpu.vector_load_idx %arg8[%broadcast_in_dim3A_28] : memref<36xf32, #tpu.memory_space<vmem>>[vector<16xi32>], vector<16xf32>,
    %mul3A_30 = arith.mulf %neg3A_8, %gather3A_29 : vector<16xf32>
    %broadcast_in_dim3A_31 = arith.constant 32 : i32
    %broadcast_in_dim3A_32 = vector.broadcast %broadcast_in_dim3A_31 : i32 to vector<16xi32>
    %gather3A_33 = tpu.vector_load_idx %arg8[%broadcast_in_dim3A_32] : memref<36xf32, #tpu.memory_space<vmem>>[vector<16xi32>], vector<16xf32>,
    %mul3A_34 = arith.mulf %neg3A_14, %gather3A_33 : vector<16xf32>
    %broadcast_in_dim3A_35 = arith.constant 33 : i32
    %broadcast_in_dim3A_36 = vector.broadcast %broadcast_in_dim3A_35 : i32 to vector<16xi32>
    %gather3A_37 = tpu.vector_load_idx %arg8[%broadcast_in_dim3A_36] : memref<36xf32, #tpu.memory_space<vmem>>[vector<16xi32>], vector<16xf32>,
    %mul3A_38 = arith.mulf %neg3A_14, %gather3A_37 : vector<16xf32>
    %broadcast_in_dim3A_39 = arith.constant 34 : i32
    %broadcast_in_dim3A_40 = vector.broadcast %broadcast_in_dim3A_39 : i32 to vector<16xi32>
    %gather3A_41 = tpu.vector_load_idx %arg8[%broadcast_in_dim3A_40] : memref<36xf32, #tpu.memory_space<vmem>>[vector<16xi32>], vector<16xf32>,
    %mul3A_42 = arith.mulf %neg3A_14, %gather3A_41 : vector<16xf32>
    %broadcast_in_dim3A_43 = arith.constant 35 : i32
    %broadcast_in_dim3A_44 = vector.broadcast %broadcast_in_dim3A_43 : i32 to vector<16xi32>
    %gather3A_45 = tpu.vector_load_idx %arg8[%broadcast_in_dim3A_44] : memref<36xf32, #tpu.memory_space<vmem>>[vector<16xi32>], vector<16xf32>,
    %mul3A_46 = arith.mulf %neg3A_14, %gather3A_45 : vector<16xf32>
    %broadcast_in_dim3A_47 = arith.constant 0 : i32
    %broadcast_in_dim3A_48 = vector.broadcast %broadcast_in_dim3A_47 : i32 to vector<16xi32>
    %gather3A_49 = tpu.vector_load_idx %arg9[%broadcast_in_dim3A_48] : memref<6xf32, #tpu.memory_space<vmem>>[vector<16xi32>], vector<16xf32>,
    %neg3A_50 = arith.constant 0.000000e+00 : f32
    %neg3A_51 = vector.broadcast %neg3A_50 : f32 to vector<16xf32>
    %neg3A_52 = arith.subf %neg3A_51, %gather3A_49 : vector<16xf32>
    %broadcast_in_dim3A_53 = arith.constant 1 : i32
    %broadcast_in_dim3A_54 = vector.broadcast %broadcast_in_dim3A_53 : i32 to vector<16xi32>
    %gather3A_55 = tpu.vector_load_idx %arg9[%broadcast_in_dim3A_54] : memref<6xf32, #tpu.memory_space<vmem>>[vector<16xi32>], vector<16xf32>,
    %neg3A_56 = arith.constant 0.000000e+00 : f32
    %neg3A_57 = vector.broadcast %neg3A_56 : f32 to vector<16xf32>
    %neg3A_58 = arith.subf %neg3A_57, %gather3A_55 : vector<16xf32>
    %dma_wait3A = tpu.memref_slice %arg2[%mul3A_4] : memref<65536xf32, #tpu.memory_space<hbm>> -> memref<2048xf32, #tpu.memory_space<hbm>>
    %dma_wait3A_59 = tpu.memref_slice %arg2[%mul3A_4] : memref<65536xf32, #tpu.memory_space<hbm>> -> memref<2048xf32, #tpu.memory_space<hbm>>
    tpu.wait_dma2 semaphore(%arg13 : memref<!tpu.dma_semaphore, #tpu.memory_space<semaphore_mem>>) src(%dma_wait3A_59 : memref<2048xf32, #tpu.memory_space<hbm>>) dst(%arg7 : memref<2048xf32, #tpu.memory_space<vmem>>)
    %iota3A = tpu.iota {dimensions = array<i32: 0>} : vector<16xi32>
    %mul3A_60 = arith.constant 4 : i32
    %mul3A_61 = vector.broadcast %mul3A_60 : i32 to vector<16xi32>
    %mul3A_62 = arith.muli %iota3A, %mul3A_61 : vector<16xi32>
    %add3A_63 = arith.constant 0 : i32
    %add3A_64 = vector.broadcast %add3A_63 : i32 to vector<16xi32>
    %add3A_65 = arith.addi %mul3A_62, %add3A_64 : vector<16xi32>
    %mul3A_66 = arith.constant 4 : i32
    %mul3A_67 = vector.broadcast %mul3A_66 : i32 to vector<16xi32>
    %mul3A_68 = arith.muli %iota3A, %mul3A_67 : vector<16xi32>
    %add3A_69 = arith.constant 1 : i32
    %add3A_70 = vector.broadcast %add3A_69 : i32 to vector<16xi32>
    %add3A_71 = arith.addi %mul3A_68, %add3A_70 : vector<16xi32>
    %mul3A_72 = arith.constant 4 : i32
    %mul3A_73 = vector.broadcast %mul3A_72 : i32 to vector<16xi32>
    %mul3A_74 = arith.muli %iota3A, %mul3A_73 : vector<16xi32>
    %add3A_75 = arith.constant 2 : i32
    %add3A_76 = vector.broadcast %add3A_75 : i32 to vector<16xi32>
    %add3A_77 = arith.addi %mul3A_74, %add3A_76 : vector<16xi32>
    %mul3A_78 = arith.constant 4 : i32
    %mul3A_79 = vector.broadcast %mul3A_78 : i32 to vector<16xi32>
    %mul3A_80 = arith.muli %iota3A, %mul3A_79 : vector<16xi32>
    %add3A_81 = arith.constant 3 : i32
    %add3A_82 = vector.broadcast %add3A_81 : i32 to vector<16xi32>
    %add3A_83 = arith.addi %mul3A_80, %add3A_82 : vector<16xi32>
    %mul3A_84 = arith.constant 2 : i32
    %mul3A_85 = vector.broadcast %mul3A_84 : i32 to vector<16xi32>
    %mul3A_86 = arith.muli %iota3A, %mul3A_85 : vector<16xi32>
    %add3A_87 = arith.constant 0 : i32
    %add3A_88 = vector.broadcast %add3A_87 : i32 to vector<16xi32>
    %add3A_89 = arith.addi %mul3A_86, %add3A_88 : vector<16xi32>
    %mul3A_90 = arith.constant 2 : i32
    %mul3A_91 = vector.broadcast %mul3A_90 : i32 to vector<16xi32>
    %mul3A_92 = arith.muli %iota3A, %mul3A_91 : vector<16xi32>
    %add3A_93 = arith.constant 1 : i32
    %add3A_94 = vector.broadcast %add3A_93 : i32 to vector<16xi32>
    %add3A_95 = arith.addi %mul3A_92, %add3A_94 : vector<16xi32>
    %parallel_loop3A = arith.constant 0 : i32
    %parallel_loop3A_96 = arith.constant 32 : i32
    %parallel_loop3A_97 = arith.constant 1 : i32
    %parallel_loop3A_98:6 = scf.for %parallel_loop3A_101 = %parallel_loop3A to %parallel_loop3A_96 step %parallel_loop3A_97 iter_args(%parallel_loop3A_102 = %add3A_65, %parallel_loop3A_103 = %add3A_71, %parallel_loop3A_104 = %add3A_77, %parallel_loop3A_105 = %add3A_83, %parallel_loop3A_106 = %add3A_89, %parallel_loop3A_107 = %add3A_95) -> (vector<16xi32>, vector<16xi32>, vector<16xi32>, vector<16xi32>, vector<16xi32>, vector<16xi32>)  : i32 {
      %parallel_loop3A_108 = tpu.vector_load_idx %arg7[%parallel_loop3A_102] : memref<2048xf32, #tpu.memory_space<vmem>>[vector<16xi32>], vector<16xf32>,
      %parallel_loop3A_109 = tpu.vector_load_idx %arg7[%parallel_loop3A_103] : memref<2048xf32, #tpu.memory_space<vmem>>[vector<16xi32>], vector<16xf32>,
      %parallel_loop3A_110 = tpu.vector_load_idx %arg7[%parallel_loop3A_104] : memref<2048xf32, #tpu.memory_space<vmem>>[vector<16xi32>], vector<16xf32>,
      %parallel_loop3A_111 = tpu.vector_load_idx %arg7[%parallel_loop3A_105] : memref<2048xf32, #tpu.memory_space<vmem>>[vector<16xi32>], vector<16xf32>,
      %parallel_loop3A_112 = arith.mulf %mul3A_18, %parallel_loop3A_108 : vector<16xf32>
      %parallel_loop3A_113 = arith.addf %neg3A_52, %parallel_loop3A_112 : vector<16xf32>
      %parallel_loop3A_114 = arith.mulf %mul3A_22, %parallel_loop3A_109 : vector<16xf32>
      %parallel_loop3A_115 = arith.addf %parallel_loop3A_113, %parallel_loop3A_114 : vector<16xf32>
      %parallel_loop3A_116 = arith.mulf %mul3A_26, %parallel_loop3A_110 : vector<16xf32>
      %parallel_loop3A_117 = arith.addf %parallel_loop3A_115, %parallel_loop3A_116 : vector<16xf32>
      %parallel_loop3A_118 = arith.mulf %mul3A_30, %parallel_loop3A_111 : vector<16xf32>
      %parallel_loop3A_119 = arith.addf %parallel_loop3A_117, %parallel_loop3A_118 : vector<16xf32>
      %parallel_loop3A_120 = math.exp %parallel_loop3A_119 : vector<16xf32>
      %parallel_loop3A_121 = arith.constant 1.000000e+00 : f32
      %parallel_loop3A_122 = vector.broadcast %parallel_loop3A_121 : f32 to vector<16xf32>
      %parallel_loop3A_123 = arith.addf %parallel_loop3A_122, %parallel_loop3A_120 : vector<16xf32>
      %parallel_loop3A_124 = arith.constant 1.000000e+00 : f32
      %parallel_loop3A_125 = vector.broadcast %parallel_loop3A_124 : f32 to vector<16xf32>
      %parallel_loop3A_126 = arith.divf %parallel_loop3A_125, %parallel_loop3A_123 : vector<16xf32>
      tpu.vector_store_idx %arg11[%parallel_loop3A_106], %parallel_loop3A_126 : memref<1024xf32, #tpu.memory_space<vmem>>[vector<16xi32>], vector<16xf32>,
      %parallel_loop3A_127 = arith.mulf %mul3A_34, %parallel_loop3A_108 : vector<16xf32>
      %parallel_loop3A_128 = arith.addf %neg3A_58, %parallel_loop3A_127 : vector<16xf32>
      %parallel_loop3A_129 = arith.mulf %mul3A_38, %parallel_loop3A_109 : vector<16xf32>
      %parallel_loop3A_130 = arith.addf %parallel_loop3A_128, %parallel_loop3A_129 : vector<16xf32>
      %parallel_loop3A_131 = arith.mulf %mul3A_42, %parallel_loop3A_110 : vector<16xf32>
      %parallel_loop3A_132 = arith.addf %parallel_loop3A_130, %parallel_loop3A_131 : vector<16xf32>
      %parallel_loop3A_133 = arith.mulf %mul3A_46, %parallel_loop3A_111 : vector<16xf32>
      %parallel_loop3A_134 = arith.addf %parallel_loop3A_132, %parallel_loop3A_133 : vector<16xf32>
      %parallel_loop3A_135 = math.exp %parallel_loop3A_134 : vector<16xf32>
      %parallel_loop3A_136 = arith.constant 1.000000e+00 : f32
      %parallel_loop3A_137 = vector.broadcast %parallel_loop3A_136 : f32 to vector<16xf32>
      %parallel_loop3A_138 = arith.addf %parallel_loop3A_137, %parallel_loop3A_135 : vector<16xf32>
      %parallel_loop3A_139 = arith.constant 1.000000e+00 : f32
      %parallel_loop3A_140 = vector.broadcast %parallel_loop3A_139 : f32 to vector<16xf32>
      %parallel_loop3A_141 = arith.divf %parallel_loop3A_140, %parallel_loop3A_138 : vector<16xf32>
      tpu.vector_store_idx %arg11[%parallel_loop3A_107], %parallel_loop3A_141 : memref<1024xf32, #tpu.memory_space<vmem>>[vector<16xi32>], vector<16xf32>,
      %parallel_loop3A_142 = arith.constant 64 : i32
      %parallel_loop3A_143 = vector.broadcast %parallel_loop3A_142 : i32 to vector<16xi32>
      %parallel_loop3A_144 = arith.addi %parallel_loop3A_102, %parallel_loop3A_143 : vector<16xi32>
      %parallel_loop3A_145 = arith.constant 64 : i32
      %parallel_loop3A_146 = vector.broadcast %parallel_loop3A_145 : i32 to vector<16xi32>
      %parallel_loop3A_147 = arith.addi %parallel_loop3A_103, %parallel_loop3A_146 : vector<16xi32>
      %parallel_loop3A_148 = arith.constant 64 : i32
      %parallel_loop3A_149 = vector.broadcast %parallel_loop3A_148 : i32 to vector<16xi32>
      %parallel_loop3A_150 = arith.addi %parallel_loop3A_104, %parallel_loop3A_149 : vector<16xi32>
      %parallel_loop3A_151 = arith.constant 64 : i32
      %parallel_loop3A_152 = vector.broadcast %parallel_loop3A_151 : i32 to vector<16xi32>
      %parallel_loop3A_153 = arith.addi %parallel_loop3A_105, %parallel_loop3A_152 : vector<16xi32>
      %parallel_loop3A_154 = arith.constant 32 : i32
      %parallel_loop3A_155 = vector.broadcast %parallel_loop3A_154 : i32 to vector<16xi32>
      %parallel_loop3A_156 = arith.addi %parallel_loop3A_106, %parallel_loop3A_155 : vector<16xi32>
      %parallel_loop3A_157 = arith.constant 32 : i32
      %parallel_loop3A_158 = vector.broadcast %parallel_loop3A_157 : i32 to vector<16xi32>
      %parallel_loop3A_159 = arith.addi %parallel_loop3A_107, %parallel_loop3A_158 : vector<16xi32>
      scf.yield %parallel_loop3A_144, %parallel_loop3A_147, %parallel_loop3A_150, %parallel_loop3A_153, %parallel_loop3A_156, %parallel_loop3A_159 : vector<16xi32>, vector<16xi32>, vector<16xi32>, vector<16xi32>, vector<16xi32>, vector<16xi32>
    } {sc.loop_unroll_factor = 2 : i64, sc.parallel_access}
    %mul3A_99 = arith.constant 2 : i32
    %mul3A_100 = arith.muli %mul3A_2, %mul3A_99 : i32
    "tpu.region"() ({
      %run_scoped3A = tpu.sem_alloc : memref<!tpu.dma_semaphore, #tpu.memory_space<semaphore_mem>>
      %dma_start3A_101 = tpu.memref_slice %arg6[%mul3A_100] : memref<32768xf32, #tpu.memory_space<hbm>> -> memref<1024xf32, #tpu.memory_space<hbm>>
      %dma_start3A_102 = tpu.memref_slice %arg6[%mul3A_100] : memref<32768xf32, #tpu.memory_space<hbm>> -> memref<1024xf32, #tpu.memory_space<hbm>>
      tpu.enqueue_dma source(%arg11 : memref<1024xf32, #tpu.memory_space<vmem>>) target(%dma_start3A_102 : memref<1024xf32, #tpu.memory_space<hbm>>) target_semaphore(%run_scoped3A : memref<!tpu.dma_semaphore, #tpu.memory_space<semaphore_mem>>)
      %dma_wait3A_103 = tpu.memref_slice %arg6[%mul3A_100] : memref<32768xf32, #tpu.memory_space<hbm>> -> memref<1024xf32, #tpu.memory_space<hbm>>
      %dma_wait3A_104 = tpu.memref_slice %arg6[%mul3A_100] : memref<32768xf32, #tpu.memory_space<hbm>> -> memref<1024xf32, #tpu.memory_space<hbm>>
      tpu.wait_dma2 semaphore(%run_scoped3A : memref<!tpu.dma_semaphore, #tpu.memory_space<semaphore_mem>>) src(%arg11 : memref<1024xf32, #tpu.memory_space<vmem>>) dst(%dma_wait3A_104 : memref<1024xf32, #tpu.memory_space<hbm>>)
      tpu.yield
    }) : () -> ()
    return
  }
}

</mosaic_0001>

<sc_bundles>
// kernel: kernel.3.cloned.1.call-start
scs
__scs_entry_jumppad:
0x0: {  	(pc) =	sbr.rel $0x88, $3  }
0x1: {  	(tag) =	ssettag $0x0;
	lr =	simm.s32 $0x1  }
0x2: {  	[smem:$0x3F9D] =	sst lr;
	_ =	strace $0xD0000000  }
0x3: {  	_ = 	snop  }
0x4: {  	_ = 	snop  }
0x5: {  	_ = 	snop  }
0x6: {  	_ = 	snop  }
0x7: {  	_ = 	snop  }
__scs_overlays_trampoline_lowered:
0x8: {  	[smem:$0x3FAC] =	sst s0  }
0x9: {  	[smem:$0x3FAD] =	sst s1  }
0xa: {  	[smem:$0x3FAE] =	sst s2  }
0xb: {  	[smem:$0x3FAF] =	sst s3  }
0xc: {  	[smem:$0x3FB0] =	sst s4  }
0xd: {  	[smem:$0x3FB1] =	sst s5  }
0xe: {  	[smem:$0x3FB2] =	sst s6  }
0xf: {  	[smem:$0x3FB3] =	sst s7  }
0x10: {  	[smem:$0x3FB4] =	sst s8  }
0x11: {  	[smem:$0x3FB5] =	sst s9;
	s0 =	simm.s32 @!p0 $0x0  }
0x12: {  	s1 =	sld [smem:$0x3F9B];
	s0 =	simm.s32 @p0 $0x1  }
0x13: {  	[smem:$0x3FB6] =	sst s0;
	s0 =	simm.s32 @!p1 $0x0  }
0x14: {  	s2 =	sld [smem:$0x3F9A];
	s0 =	simm.s32 @p1 $0x1  }
0x15: {  	[smem:$0x3FB7] =	sst s0;
	s0 =	simm.s32 @!p2 $0x0  }
0x16: {  	s3 =	sld [smem:$0x3FDB];
	s0 =	simm.s32 @p2 $0x1  }
0x17: {  	s4 =	simm.s32 $0x1BF5;
	[smem:$0x3FB9] =	sst s0  }
0x18: {  	s0 =	sld [smem:$0x3F9C];
	_ =	swait.ge [sflag:s4], $0x0  }
0x19: {  	s7 =	sld [smem:$0x3F9D]  }
0x1a: {  	s8 =	sadd.s32 $0xFFFFE003, lr  }
0x1b: {  	s9 =	sadd.s32 $0xFFFFFEF7, lr;
	s5 =	simm.s32 $0xFFFFFFFF;
	p2 =	slt.u32 s8, $0xFFFFF086  }
0x1c: {  	p1 =	slt.u32 s9, $0xF7A;
	s5 =	simm.s32 @!p2 $0x0  }
0x1d: {  	s5 =	simm.s32 @p1 $0x1;
	p0 =	seq.s32 s7, s2  }
0x1e: {  	s7 =	smul.u32 @!p0 $0xF7A, s2;
	p2 =	seq.s32 @!p0 s5, $0x0  }
0x1f: {  	s9 =	smul.u32 $0xF7A, s1;
	s8 =	simm.s32 @!p0 $0x1BF5;
	p2 =	por !p2, p0  }
0x20: {  	[sflag:s8] =	ssyncset.s32 @!p0 $0xFFFFF086;
	s6 =	sadd.s32 @!p0 s3, s7;
	s7 =	simm.s32 @!p0 $0x108  }
0x21: {  	s3 =	sadd.s32 s3, s9;
	s6 =	sadd.s32 @!p0 $0x88, s6;
	s7 =	simm.s32 @p2 $0x1082  }
0x22: {  	[simem:s7], [sflag:s8] =	dma.local @!p0 [hbm:s6], $0xF7A  }
0x23: {  	s9 =	sor.u32 $0xD0000000, s2;
	s6 =	simm.s32 $0x108;
	_ =	swait.ge @!p0 [sflag:s8], $0x0  }
0x24: {  	s3 =	sadd.s32 $0x88, s3;
	s6 =	simm.s32 @!p1 $0x1082;
	[sflag:s4] =	ssyncset.s32 $0xFFFFF086  }
0x25: {  	[simem:s6], [sflag:s4] =	dma.local [hbm:s3], $0xF7A  }
0x26: {  	[smem:$0x3F9D] =	sst s1;
	(tag) =	ssettag s2;
	_ =	strace s9  }
0x27: {  	s1 =	sld [smem:$0x3FAD]  }
0x28: {  	s2 =	sld [smem:$0x3FAE]  }
0x29: {  	s4 =	sld [smem:$0x3FB0]  }
0x2a: {  	p0 =	seq.s32 s5, $0x0;
	s5 =	sld [smem:$0x3FB1]  }
0x2b: {  	s6 =	sld [smem:$0x3FB2]  }
0x2c: {  	s7 =	sld [smem:$0x3FB3]  }
0x2d: {  	s3 =	simm.s32 $0x108;
	s8 =	sld [smem:$0x3FB4]  }
0x2e: {  	s3 =	simm.s32 @!p0 $0x1082;
	s9 =	sld [smem:$0x3FB5]  }
0x2f: {  	lr =	sadd.s32 s0, s3;
	s0 =	sld [smem:$0x3FAC]  }
0x30: {  	s3 =	sld [smem:$0x3FAF]  }
0x31: {  	[smem:$0x3FB8] =	sst s10  }
0x32: {  	s10 =	sld [smem:$0x3FB6];
	_ =	sdelay $0x3  }
0x33: {  	p0 =	seq.s32 s10, $0x1;
	s10 =	sld [smem:$0x3FB8];
	_ =	sdelay $0x3  }
0x34: {  	[smem:$0x3FB8] =	sst s10  }
0x35: {  	s10 =	sld [smem:$0x3FB7];
	_ =	sdelay $0x3  }
0x36: {  	p1 =	seq.s32 s10, $0x1;
	s10 =	sld [smem:$0x3FB8];
	_ =	sdelay $0x3  }
0x37: {  	[smem:$0x3FB8] =	sst s10  }
0x38: {  	s10 =	sld [smem:$0x3FB9]  }
0x39: {  	_ = 	snop;
	(pc) =	sbr.ind lr, $3  }
0x3a: {  	_ = 	snop  }
0x3b: {  	_ = 	snop  }
0x3c: {  	p2 =	seq.s32 s10, $0x1;
	s10 =	sld [smem:$0x3FB8]  }
0x3d: {  	_ =	shalt  }
0x3e: {  	_ =	shalt  }
0x3f: {  	_ =	shalt  }
0x40: {  	_ =	shalt  }
0x41: {  	_ =	shalt  }
0x42: {  	_ =	shalt  }
0x43: {  	_ =	shalt  }
0x44: {  	_ =	shalt  }
0x45: {  	_ =	shalt  }
0x46: {  	_ =	shalt  }
0x47: {  	_ =	shalt  }
0x48: {  	_ =	shalt  }
0x49: {  	_ =	shalt  }
0x4a: {  	_ =	shalt  }
0x4b: {  	_ =	shalt  }
0x4c: {  	_ =	shalt  }
0x4d: {  	_ =	shalt  }
0x4e: {  	_ =	shalt  }
0x4f: {  	_ =	shalt  }
0x50: {  	_ =	shalt  }
0x51: {  	_ =	shalt  }
0x52: {  	_ =	shalt  }
0x53: {  	_ =	shalt  }
0x54: {  	_ =	shalt  }
0x55: {  	_ =	shalt  }
0x56: {  	_ =	shalt  }
0x57: {  	_ =	shalt  }
0x58: {  	_ =	shalt  }
0x59: {  	_ =	shalt  }
0x5a: {  	_ =	shalt  }
0x5b: {  	_ =	shalt  }
0x5c: {  	_ =	shalt  }
0x5d: {  	_ =	shalt  }
0x5e: {  	_ =	shalt  }
0x5f: {  	_ =	shalt  }
0x60: {  	_ =	shalt  }
0x61: {  	_ =	shalt  }
0x62: {  	_ =	shalt  }
0x63: {  	_ =	shalt  }
0x64: {  	_ =	shalt  }
0x65: {  	_ =	shalt  }
0x66: {  	_ =	shalt  }
0x67: {  	_ =	shalt  }
0x68: {  	_ =	shalt  }
0x69: {  	_ =	shalt  }
0x6a: {  	_ =	shalt  }
0x6b: {  	_ =	shalt  }
0x6c: {  	_ =	shalt  }
0x6d: {  	_ =	shalt  }
0x6e: {  	_ =	shalt  }
0x6f: {  	_ =	shalt  }
0x70: {  	_ =	shalt  }
0x71: {  	_ =	shalt  }
0x72: {  	_ =	shalt  }
0x73: {  	_ =	shalt  }
0x74: {  	_ =	shalt  }
0x75: {  	_ =	shalt  }
0x76: {  	_ =	shalt  }
0x77: {  	_ =	shalt  }
0x78: {  	_ =	shalt  }
0x79: {  	_ =	shalt  }
0x7a: {  	_ =	shalt  }
0x7b: {  	_ =	shalt  }
0x7c: {  	_ =	shalt  }
0x7d: {  	_ =	shalt  }
0x7e: {  	_ =	shalt  }
0x7f: {  	_ =	shalt  }
0x80: {  	_ =	shalt  }
0x81: {  	_ =	shalt  }
0x82: {  	_ =	shalt  }
0x83: {  	_ =	shalt  }
0x84: {  	_ =	shalt  }
0x85: {  	_ =	shalt  }
0x86: {  	_ =	shalt  }
0x87: {  	_ =	shalt  }
.Lfunc_end0:
.L_simem_size_0:
called_computation_lowered:
.L_overlay_start_0:
0x88: {  	s2 =	sld [smem:$0x3FD9]  }
0x89: {  	s3 =	sld [smem:$0x3FFE];
	_ =	sdelay $0x1  }
0x8a: {  	s1 =	srdreg.scid  }
0x8b: {  	s0 =	sand.u32 $0x1, s1  }
0x8c: {  	s17 =	sshll.u32 s0, $0xA;
	s2 =	sadd.s32 s3, s2  }
0x8d: {  	s2 =	sadd.s32 s2, s17  }
0x8e: {  	[smem:$0x3FC4] =	sst s2  }
0x8f: {  	_ = 	snop  }
0x90: {  	s2 =	sld [smem:$0x3FC8]  }
0x91: {  	s18 =	sld [smem:$0x3FC7]  }
0x92: {  	s4 =	sld [smem:$0x3FC6]  }
0x93: {  	s5 =	sld [smem:$0x3FD0];
	(tm) =	ssettm $0x1  }
0x94: {  	s6 =	sld [smem:$0x3FFB];
	_ =	sdelay $0x3  }
0x95: {  	_ =	strace s6  }
0x96: {  	s6 =	sld [smem:$0x3FFC];
	_ =	sdelay $0x3  }
0x97: {  	_ =	strace s6  }
0x98: {  	s6 =	sld [smem:$0x3FFD];
	_ =	sdelay $0x3  }
0x99: {  	_ =	strace s6  }
0x9a: {  	_ =	strace $0x8FFFFFFF  }
0x9b: {  	s19 =	sld [smem:$0x3FDB];
	_ =	sdelay $0x1  }
0x9c: {  	s7 =	simm.s32 $_scs_section_size  }
0x9d: {  	s8 =	simm.s32 $_size__tile_overlayer_lowered;
	s9 =	simm.s32 $_tile_overlayer_lowered  }
0x9e: {  	s22 =	simm.s32 $0x1BFF;
	s21 =	sshll.u32 s9, $0x1;
	s6 =	sadd.s32 s7, s19  }
0x9f: {  	s10 =	simm.s32 $0x0;
	s20 =	sshll.u32 s8, $0x1;
	s8 =	sadd.s32 s21, s6  }
0xa0: {  	[timem:s10], [sflag:s22] =	dma.local [hbm:s8], s20  }
0xa1: {  	_ =	swait.ge [sflag:s22], s20  }
0xa2: {  	s7 =	ssub.s32 $0x0, s20;
	[sflag:s22] =	ssyncset.done $0x0  }
0xa3: {  	[sflag:s22] =	ssyncadd.s32 s7;
	_ =	sdelay $0x1  }
0xa4: {  	s23 =	simm.s32 $0x1B8B  }
0xa5: {  	_ =	swait.ge [sflag:s23], $0x1  }
0xa6: {  	[sflag:s23] =	ssyncset.done $0x0  }
0xa7: {  	s25 =	simm.s32 $0x1B8E;
	s24 =	sld [smem:$0x3FFE];
	[sflag:s23] =	ssyncadd.s32 $0xFFFFFFFF  }
0xa8: {  	s26 =	simm.s32 $execute0_lowered;
	[smem:$0x3FD2] =	sst s25  }
0xa9: {  	s8 =	sshll.u32 s26, $0x1;
	_ =	strace $0x80000046;
	[dreg:$0x1] =	wrdreg $0xFFFFFFFF  }
0xaa: {  	s28 =	simm.s32 $_size_execute0_lowered;
	s6 =	sadd.s32 s6, s8;
	[dreg:$0x0] =	wrdreg $0x0  }
0xab: {  	s8 =	sshll.u32 s28, $0x1;
	[dreg:$0x2] =	wrdreg s6  }
0xac: {  	[dreg:$0x3] =	wrdreg s8  }
0xad: {  	[dreg:$0x4] =	wrdreg $0xC0  }
0xae: {  	_ =	task [dreg:s10], $0x5FFFF  }
0xaf: {  	[dreg:$0x1] =	wrdreg $0xFFFFFFFF  }
0xb0: {  	[dreg:$0x0] =	wrdreg $0x60  }
0xb1: {  	[dreg:$0x2] =	wrdreg s24  }
0xb2: {  	[dreg:$0x3] =	wrdreg s2  }
0xb3: {  	[dreg:$0x4] =	wrdreg s18  }
0xb4: {  	[dreg:$0x5] =	wrdreg s4  }
0xb5: {  	[dreg:$0x6] =	wrdreg s5  }
0xb6: {  	[dreg:$0x7] =	wrdreg $0x9  }
0xb7: {  	_ =	task.clear_ibuf [dreg:s10], $0x8FFFF;
	_ =	strace $0x90000046  }
0xb8: {  	s29 =	simm.s32 $0x9;
	_ =	strace $0x80000048  }
0xb9: {  	_ =	swait.ge [sflag:s29], $0x1  }
0xba: {  	[sflag:s29] =	ssyncadd.s32 $0xFFFFFFFF  }
0xbb: {  	_ =	strace $0x90000048  }
0xbc: {  	_ =	sfence  }
0xbd: {  	s30 =	sld [smem:$0x0];
	_ =	sdelay $0x2  }
0xbe: {  	s31 =	sshll.u32 s1, $0xD;
	s1 =	sshrl.u32 s1, $0x2  }
0xbf: {  	s3 =	sand.u32 $0x4000, s31;
	s1 =	sadd.s32 s1, s30  }
0xc0: {  	s0 =	sor.u32 s3, s0;
	s1 =	sshll.u32 s1, $0x11  }
0xc1: {  	s0 =	sor.u32 s1, s0  }
0xc2: {  	s0 =	sadd.s32 $0x8F2B, s0  }
0xc3: {  	[sflag:s0] =	ssyncadd.remote.s32 $0x1  }
0xc4: {  	_ =	sfence.sel $0xFFFF  }
0xc5: {  	[dreg:$0x0] =	wrdreg $0xFFFFFFFF;
	(pc) =	sbr.abs _section_cstart, $3  }
0xc6: {  	[dreg:$0x1] =	wrdreg $0xFFFFFFFF  }
0xc7: {  	_ =	task.clear_ibuf [dreg:s10], $0x2FFFF;
	_ =	strace $0x9FFFFFFF  }
0xc8: {  	(tm) =	ssettm $0x7FFFFFFF  }
0xc9: {  	_ =	shalt  }
tec
execute0_lowered:
.L_overlay_start_1:
0x0: {  	(tag) =	ssettag $0x1  }
0x1: {  	s6 =	rddreg [dreg:$0x0]  }
0x2: {  	s1 =	rddreg [dreg:$0x1]  }
0x3: {  	s2 =	rddreg [dreg:$0x2]  }
0x4: {  	s4 =	rddreg [dreg:$0x3]  }
0x5: {  	s7 =	rddreg [dreg:$0x4]  }
0x6: {  	s0 =	rddreg [dreg:$0x5];
	s8 =	srdreg.scid  }
0x7: {  	s3 =	stileid.u32;
	s5 =	simm.s32 $0x0;
	s11 =	simm.s32 $0x900  }
0x8: {  	s12 =	simm.s32 $0x1;
	s13 =	simm.s32 $0x2;
	s14 =	simm.s32 $0x980  }
0x9: {  	v0 =	vimm.s32 $0x1;
	s15 =	simm.s32 $0x3;
	s8 =	sand.u32 $0x1, s8;
	s9 =	sshll.u32 s3, $0x1  }
0xa: {  	v1 =	vimm.s32 $0x1C;
	v2 =	vimm.s32 $0x1D;
	v8 =	vlaneseq.u32;
	s16 =	simm.s32 $0x0;
	[smem:$0x7FF] =	sst s5;
	s9 =	sor.u32 s8, s9  }
0xb: {  	v3 =	vimm.s32 $0x1E;
	v4 =	vimm.s32 $0x1F;
	v5 =	vmul.u32 $0x4, v8;
	_ =	strace $0x80000047;
	s8 =	ssub.s32 $0x2, s8;
	s10 =	sshll.u32 s9, $0x8  }
0xc: {  	v6 =	vimm.s32 $0x20;
	v7 =	vimm.s32 $0x21;
	v8 =	vmul.u32 $0x2, v8;
	s31 =	sshrl.u32 s8, $0x1;
	s9 =	sshll.u32 s9, $0x7;
	s6 =	sadd.s32 s10, s6  }
0xd: {  	v9 =	vimm.s32 $0x22;
	v10 =	vimm.s32 $0x23;
	v11 =	vor.u32 $0x1, v5;
	s8 =	ssub.s32 s8, s31;
	s7 =	sadd.s32 s7, s9;
	s9 =	simm.s32 $0x800  }
0xe: {  	v12 =	vor.u32 $0x2, v5;
	v13 =	vor.u32 $0x3, v5;
	v14 =	vor.u32 $0x1, v8;
	s10 =	simm.s32 $0x880;
	s6 =	sadd.s32 $0x400, s6;
	s8 =	smax.u32 s8, $0x1  }
.LBB2_1:
0xf: {  	[tilespmem:s5], [sflag:$0x2] =	stream.linear.gather [hbm4b:s6+s5], $0x800, $0x38;
	[tilespmem:$0xD80] =	vst v63  }
0x10: {  	_ = 	snop  }
0x11: {  	[tilespmem:s9], [sflag:$0x1] =	stream.linear.gather [hbm4b:s1+s5], $0x80, $0x38;
	[tilespmem:$0xD80] =	vst v63  }
0x12: {  	_ = 	snop  }
0x13: {  	[tilespmem:s10], [sflag:$0x1] =	stream.linear.gather [hbm4b:s2+s5], $0x80, $0x38;
	[tilespmem:$0xD80] =	vst v63  }
0x14: {  	_ = 	snop  }
0x15: {  	[tilespmem:s11], [sflag:$0x1] =	stream.linear.gather [hbm4b:s4+s5], $0x80, $0x38;
	[tilespmem:$0xD80] =	vst v63  }
0x16: {  	_ =	swait.ge [sflag:s12], $0x80  }
0x17: {  	[sflag:s12] =	ssyncset.done $0x0  }
0x18: {  	[sflag:s12] =	ssyncadd.s32 $0xFFFFFF80  }
0x19: {  	_ =	swait.ge [sflag:s12], $0x80  }
0x1a: {  	[sflag:s12] =	ssyncset.done $0x0  }
0x1b: {  	[sflag:s12] =	ssyncadd.s32 $0xFFFFFF80  }
0x1c: {  	_ =	swait.ge [sflag:s12], $0x80  }
0x1d: {  	[sflag:s12] =	ssyncset.done $0x0  }
0x1e: {  	[sflag:s12] =	ssyncadd.s32 $0xFFFFFF80  }
0x1f: {  	v15 =	vld.msk [tilespmem:s11+$0x0], $0xffff  }
0x20: {  	v16 =	vld.idx.msk [tilespmem:v0+s11+$0x0], $0xffff  }
0x21: {  	v20 =	vld.idx.msk [tilespmem:v1+s9+$0x0], $0xffff  }
0x22: {  	v22 =	vld.idx.msk [tilespmem:v2+s9+$0x0], $0xffff  }
0x23: {  	v24 =	vld.idx.msk [tilespmem:v3+s9+$0x0], $0xffff  }
0x24: {  	v25 =	vld.idx.msk [tilespmem:v4+s9+$0x0], $0xffff  }
0x25: {  	v17 =	vld.idx.msk [tilespmem:v6+s9+$0x0], $0xffff  }
0x26: {  	v18 =	vld.idx.msk [tilespmem:v7+s9+$0x0], $0xffff  }
0x27: {  	v23 =	vld.idx.msk [tilespmem:v9+s9+$0x0], $0xffff  }
0x28: {  	v26 =	vld.idx.msk [tilespmem:v10+s9+$0x0], $0xffff  }
0x29: {  	v27 =	vld.msk [tilespmem:s10+$0x0], $0xffff  }
0x2a: {  	v21 =	vld.idx.msk [tilespmem:v0+s10+$0x0], $0xffff;
	_ =	swait.ge [sflag:s13], $0x800  }
0x2b: {  	[sflag:s13] =	ssyncset.done $0x0  }
0x2c: {  	v35 =	vadd.s32 $0x40, v5;
	[sflag:s13] =	ssyncadd.s32 $0xFFFFF800  }
0x2d: {  	v36 =	vadd.s32 $0x80, v11;
	v28 =	vld.idx.msk [tilespmem:v5+s5+$0x0], $0xffff  }
0x2e: {  	v29 =	vld.idx.msk [tilespmem:v11+s5+$0x0], $0xffff  }
0x2f: {  	v31 =	vld.idx.msk [tilespmem:v12+s5+$0x0], $0xffff  }
0x30: {  	v61 =	vadd.s32 $0x80, v13;
	v34 =	vld.idx.msk [tilespmem:v13+s5+$0x0], $0xffff;
	v16 =	vsub.f32 $0.0e+00, v16  }
0x31: {  	v44 =	vadd.s32 $0x80, v36;
	v35 =	vld.idx.msk [tilespmem:v35+s5+$0x0], $0xffff;
	v30 =	vsub.f32 $0.0e+00, v15  }
0x32: {  	v39 =	vld.idx.msk [tilespmem:v36+s5+$0x0], $0xffff;
	v36 =	vadd.s32 $0x40, v36;
	v19 =	vmul.f32 v17, v16;
	v17 =	vmul.f32 v18, v16  }
0x33: {  	v18 =	vsub.f32 $0.0e+00, v21;
	v21 =	vmul.f32 v20, v30;
	v15 =	vmul.f32 v23, v16  }
0x34: {  	v32 =	vadd.s32 $0x40, v13;
	v20 =	vmul.f32 v22, v30;
	v16 =	vmul.f32 v26, v16  }
0x35: {  	v58 =	vadd.s32 $0x40, v12;
	v63 =	vld.idx.msk [tilespmem:v61+s5+$0x0], $0xffff;
	v33 =	vmul.f32 v28, v19;
	v23 =	vmul.f32 v29, v17  }
0x36: {  	v52 =	vld.idx.msk [tilespmem:v44+s5+$0x0], $0xffff;
	v26 =	vadd.s32 $0x40, v11;
	v22 =	vmul.f32 v31, v15;
	v38 =	vmul.f32 v34, v16  }
0x37: {  	v29 =	vmul.f32 v29, v20;
	v60 =	vmul.f32 v35, v21;
	v33 =	vadd.f32 v33, v18  }
0x38: {  	v37 =	vadd.s32 $0x80, v5;
	v36 =	vld.idx.msk [tilespmem:v36+s5+$0x0], $0xffff;
	v40 =	vmul.f32 v39, v17;
	v35 =	vmul.f32 v35, v19  }
0x39: {  	v33 =	vadd.f32 v23, v33;
	v23 =	vsub.f32 $0.0e+00, v27;
	v27 =	vmul.f32 v28, v21  }
0x3a: {  	v48 =	vadd.s32 $0x40, v37;
	v39 =	vmul.f32 v39, v20;
	v51 =	vmul.f32 v63, v16;
	v28 =	vld.idx.msk [tilespmem:v32+s5+$0x0], $0xffff  }
0x3b: {  	v45 =	vmul.f32 v52, v17;
	v32 =	vld.idx.msk [tilespmem:v58+s5+$0x0], $0xffff;
	v33 =	vadd.f32 v22, v33;
	v27 =	vadd.f32 v27, v23  }
0x3c: {  	v26 =	vld.idx.msk [tilespmem:v26+s5+$0x0], $0xffff;
	v22 =	vmul.f32 v24, v30;
	v24 =	vmul.f32 v25, v30;
	v25 =	vadd.s32 $0x80, v12  }
0x3d: {  	v56 =	vmul.f32 v36, v20;
	v30 =	vadd.f32 v38, v33;
	v27 =	vadd.f32 v29, v27;
	v29 =	vld.idx.msk [tilespmem:v37+s5+$0x0], $0xffff  }
0x3e: {  	v35 =	vadd.f32 v35, v18;
	v36 =	vmul.f32 v36, v17;
	v31 =	vmul.f32 v31, v22  }
0x3f: {  	v49 =	vadd.s32 $0x40, v25;
	v59 =	vmul.f32 v28, v24;
	v30 =	vmul.f32 $1.442695020e+00, v30  }
0x40: {  	v43 =	vmul.f32 v32, v22;
	v27 =	vadd.f32 v31, v27;
	v31 =	vmul.f32 v34, v24  }
0x41: {  	v37 =	vadd.s32 $0x80, v37;
	v41 =	vld.idx.msk [tilespmem:v25+s5+$0x0], $0xffff;
	(erf) = vpow2.f32 v30;
	v30 =	vmul.f32 v26, v20  }
0x42: {  	v34 =	vadd.f32 v60, v23;
	v42 =	vmul.f32 v29, v21;
	v29 =	vmul.f32 v29, v19  }
0x43: {  	v32 =	vmul.f32 v32, v15;
	v27 =	vadd.f32 v31, v27;
	v26 =	vmul.f32 v26, v17  }
0x44: {  	v28 =	vmul.f32 v28, v16;
	v30 =	vadd.f32 v30, v34;
	v29 =	vadd.f32 v29, v18  }
0x45: {  	v31 =	vadd.s32 $0x40, v61;
	v27 =	vmul.f32 $1.442695020e+00, v27;
	v26 =	vadd.f32 v26, v35  }
0x46: {  	v54 =	vld.idx.msk [tilespmem:v37+s5+$0x0], $0xffff;
	v43 =	vadd.f32 v43, v30;
	v30 =	vmul.f32 v41, v15;
	v29 =	vadd.f32 v40, v29  }
0x47: {  	v35 =	vmul.f32 v63, v24;
	v42 =	vadd.f32 v42, v23;
	v26 =	vadd.f32 v32, v26  }
0x48: {  	v62 =	vmul.f32 v41, v22;
	v32 =	vadd.s32 $0x80, v61;
	v30 =	vadd.f32 v30, v29  }
0x49: {  	v61 =	vld.idx.msk [tilespmem:v49+s5+$0x0], $0xffff;
	v41 =	vmul.f32 v52, v20;
	v39 =	vadd.f32 v39, v42;
	v26 =	vadd.f32 v28, v26  }
0x4a: {  	v31 =	vld.idx.msk [tilespmem:v31+s5+$0x0], $0xffff;
	v33 =	vadd.f32 v59, v43;
	v50 =	vpop (erf);
	(erf) = vpow2.f32 v27;
	v28 =	vadd.f32 v51, v30  }
0x4b: {  	v47 =	vmul.f32 v54, v21;
	v29 =	vadd.s32 $0x80, v25;
	v25 =	vadd.f32 $1.000000000e+00, v50  }
0x4c: {  	v53 =	vmul.f32 $1.442695020e+00, v26;
	v27 =	vld.idx.msk [tilespmem:v48+s5+$0x0], $0xffff;
	v60 =	vmul.f32 $1.442695020e+00, v28  }
0x4d: {  	v34 =	vadd.f32 v62, v39;
	v28 =	vmul.f32 $1.442695020e+00, v33;
	(erf) = vrcp.f32 v25  }
0x4e: {  	v52 =	vadd.s32 $0x40, v37;
	v48 =	vmul.f32 v61, v22;
	(erf) = vpow2.f32 v53  }
0x4f: {  	v34 =	vadd.f32 v35, v34;
	v30 =	vmul.f32 v31, v24;
	(erf) = vpow2.f32 v28  }
0x50: {  	v42 =	vadd.s32 $0x40, v32;
	v50 =	vmul.f32 v54, v19;
	v40 =	vmul.f32 v31, v16  }
0x51: {  	v26 =	vadd.s32 $0x20, v14;
	v49 =	vmul.f32 $1.442695020e+00, v34;
	v63 =	vld.idx.msk [tilespmem:v29+s5+$0x0], $0xffff;
	v62 =	vmul.f32 v27, v21  }
0x52: {  	v59 =	vadd.f32 v47, v23;
	v33 =	vmul.f32 v61, v15;
	v46 =	vmul.f32 v27, v19  }
0x53: {  	v25 =	vadd.s32 $0x40, v14;
	(erf) = vpow2.f32 v60;
	v55 =	vadd.f32 v62, v23;
	v57 =	vpop (erf)  }
0x54: {  	v28 =	vadd.s32 $0x20, v8;
	v58 =	vadd.f32 v46, v18;
	v43 =	vadd.f32 $1.000000000e+00, v57  }
0x55: {  	v27 =	vadd.s32 $0x40, v8;
	v46 =	vadd.f32 v41, v59;
	v62 =	vadd.f32 v50, v18  }
0x56: {  	v60 =	vmul.f32 v63, v22;
	v35 =	vadd.f32 v56, v55;
	v34 =	vpop (erf);
	(erf) = vrcp.f32 v43  }
0x57: {  	v38 =	vld.idx.msk [tilespmem:v32+s5+$0x0], $0xffff;
	v63 =	vmul.f32 v63, v15;
	v51 =	vadd.f32 v36, v58;
	v36 =	vadd.s32 $0x80, v37;
	v31 =	vpop (erf)  }
0x58: {  	v37 =	vadd.s32 $0x80, v44;
	v41 =	vadd.f32 v48, v35;
	v61 =	vpop (erf);
	v31 =	vadd.f32 $1.000000000e+00, v31  }
0x59: {  	v48 =	vadd.f32 v45, v62;
	v35 =	vld.idx.msk [tilespmem:v42+s5+$0x0], $0xffff;
	v43 =	vadd.s32 $0x40, v44;
	v53 =	vadd.f32 $1.000000000e+00, v61  }
0x5a: {  	v39 =	vadd.f32 v60, v46;
	v45 =	vadd.f32 v33, v51;
	(erf) = vrcp.f32 v31  }
0x5b: {  	v33 =	vmovc v8;
	v44 =	vadd.s32 $0x40, v29;
	v47 =	vadd.f32 v63, v48;
	(erf) = vrcp.f32 v53  }
0x5c: {  	s17 =	simm.s32 $0x4;
	v42 =	vld.idx.msk [tilespmem:v52+s5+$0x0], $0xffff;
	v48 =	vmul.f32 v38, v16;
	v46 =	vpop (erf);
	(erf) = vpow2.f32 v49;
	v31 =	vmov v14  }
.LBB2_2:
0x5d: {  	v49 =	vld.idx.msk [tilespmem:v37+s5+$0x0], $0xffff;
	s17 =	sadd.s32 $0x2, s17;
	v29 =	vadd.s32 $0x80, v29;
	v50 =	vadd.f32 $1.000000000e+00, v46;
	v40 =	vadd.f32 v40, v45;
	v45 =	vmovc v37  }
0x5e: {  	v41 =	vadd.f32 v30, v41;
	v30 =	vmul.f32 v35, v24;
	p0 =	slt.u32 s17, $0x1E;
	v47 =	vadd.f32 v48, v47;
	v43 =	vld.idx.msk [tilespmem:v43+s5+$0x0], $0xffff  }
0x5f: {  	v32 =	vadd.s32 $0x80, v32;
	v48 =	vld.idx.msk [tilespmem:v36+s5+$0x0], $0xffff;
	v40 =	vmul.f32 $1.442695020e+00, v40;
	(erf) = vrcp.f32 v50;
	v46 =	vpop (erf)  }
0x60: {  	v50 =	vadd.s32 $0x40, v32;
	v41 =	vmul.f32 $1.442695020e+00, v41;
	v47 =	vmul.f32 $1.442695020e+00, v47;
	v44 =	vld.idx.msk [tilespmem:v44+s5+$0x0], $0xffff;
	[tilespmem:v33+s14+$0x0] =	vst.idx.msk $0xffff, v46;
	v33 =	vmovc v27  }
0x61: {  	v38 =	vmul.f32 v38, v24;
	v46 =	vadd.s32 $0x20, v25;
	(erf) = vpow2.f32 v40;
	[tilespmem:v31+s14+$0x0] =	vst.idx.msk $0xffff, v34;
	v31 =	vmovc v25  }
0x62: {  	v54 =	vmul.f32 v42, v21;
	v25 =	vadd.s32 $0x40, v25;
	v51 =	vld.idx.msk [tilespmem:v29+s5+$0x0], $0xffff;
	(erf) = vpow2.f32 v41  }
0x63: {  	v40 =	vmul.f32 v42, v19;
	v52 =	vmul.f32 v49, v17;
	v41 =	vadd.s32 $0x20, v27;
	v42 =	vpop (erf)  }
0x64: {  	v38 =	vadd.f32 v38, v39;
	v39 =	vadd.f32 v54, v23;
	(erf) = vpow2.f32 v47;
	v34 =	vpop (erf)  }
0x65: {  	v27 =	vadd.s32 $0x40, v27;
	v47 =	vmul.f32 v43, v20;
	v43 =	vmul.f32 v43, v17;
	v53 =	vpop (erf);
	[tilespmem:v28+s14+$0x0] =	vst.idx.msk $0xffff, v34  }
0x66: {  	v56 =	vmul.f32 v48, v21;
	v54 =	vmul.f32 v44, v22;
	v53 =	vadd.f32 $1.000000000e+00, v53;
	[tilespmem:v26+s14+$0x0] =	vst.idx.msk $0xffff, v42  }
0x67: {  	v55 =	vmul.f32 $1.442695020e+00, v38;
	v38 =	vadd.f32 v40, v18;
	v28 =	vmovc v41;
	v42 =	vmul.f32 v44, v15;
	v26 =	vmovc v46  }
0x68: {  	v41 =	vmul.f32 v49, v20;
	v40 =	vadd.f32 v56, v23;
	v44 =	vmul.f32 v51, v22;
	v34 =	vpop (erf)  }
0x69: {  	v46 =	vmul.f32 v48, v19;
	v56 =	vadd.f32 v47, v39;
	v47 =	vadd.f32 v43, v38  }
0x6a: {  	v48 =	vadd.f32 v41, v40;
	v40 =	vmul.f32 v35, v16;
	v38 =	vld.idx.msk [tilespmem:v32+s5+$0x0], $0xffff;
	(erf) = vrcp.f32 v53;
	v43 =	vpop (erf)  }
0x6b: {  	v49 =	vadd.s32 $0x40, v36;
	v36 =	vadd.s32 $0x80, v36;
	v41 =	vadd.f32 v54, v56;
	v39 =	vpop (erf)  }
.Ltmp0:
0x6c: {  	v37 =	vadd.s32 $0x80, v37;
	v53 =	vadd.f32 v46, v18;
	v35 =	vld.idx.msk [tilespmem:v50+s5+$0x0], $0xffff;
	v50 =	vadd.f32 $1.000000000e+00, v43;
	(pc) =	sbr.rel @p0 .LBB2_2-.Ltmp0, $4  }
0x6d: {  	v51 =	vmul.f32 v51, v15;
	v43 =	vadd.s32 $0x40, v45;
	v54 =	vadd.f32 $1.000000000e+00, v39;
	v46 =	vpop (erf)  }
0x6e: {  	v52 =	vadd.f32 v52, v53;
	v45 =	vadd.f32 v42, v47;
	(erf) = vrcp.f32 v50  }
0x6f: {  	v39 =	vadd.f32 v44, v48;
	v44 =	vadd.s32 $0x40, v29;
	(erf) = vrcp.f32 v54  }
0x70: {  	v47 =	vadd.f32 v51, v52;
	v48 =	vmul.f32 v38, v16;
	v42 =	vld.idx.msk [tilespmem:v49+s5+$0x0], $0xffff;
	(erf) = vpow2.f32 v55  }
0x71: {  	v29 =	vadd.f32 v40, v45  }
0x72: {  	v32 =	vadd.f32 $1.000000000e+00, v46;
	v30 =	vadd.f32 v30, v41  }
0x73: {  	v29 =	vmul.f32 $1.442695020e+00, v29  }
0x74: {  	v36 =	vadd.f32 v48, v47;
	(erf) = vrcp.f32 v32;
	v30 =	vmul.f32 $1.442695020e+00, v30  }
0x75: {  	(erf) = vpow2.f32 v29  }
0x76: {  	v55 =	vld.idx.msk [tilespmem:v43+s5+$0x0], $0xffff;
	v56 =	vmul.f32 $1.442695020e+00, v36;
	(erf) = vpow2.f32 v30;
	_ =	sdelay $0x1  }
0x77: {  	v57 =	vld.idx.msk [tilespmem:v44+s5+$0x0], $0xffff;
	(erf) = vpow2.f32 v56  }
0x78: {  	v37 =	vmul.f32 v38, v24;
	v58 =	vpop (erf);
	v19 =	vmul.f32 v42, v19  }
0x79: {  	v21 =	vmul.f32 v42, v21;
	v59 =	vpop (erf)  }
0x7a: {  	v17 =	vmul.f32 v55, v17;
	v18 =	vadd.f32 v19, v18;
	v60 =	vpop (erf)  }
0x7b: {  	v61 =	vmul.f32 v35, v24;
	v20 =	vmul.f32 v55, v20;
	v21 =	vadd.f32 v21, v23;
	v62 =	vpop (erf)  }
0x7c: {  	v63 =	vadd.f32 v37, v39;
	v15 =	vmul.f32 v57, v15;
	v17 =	vadd.f32 v17, v18;
	v37 =	vpop (erf)  }
0x7d: {  	v39 =	vmul.f32 v57, v22;
	v20 =	vadd.f32 v20, v21;
	v40 =	vadd.f32 $1.000000000e+00, v62;
	v41 =	vpop (erf)  }
0x7e: {  	v16 =	vmul.f32 v35, v16;
	v15 =	vadd.f32 v15, v17;
	v42 =	vpop (erf);
	v21 =	vadd.f32 $1.000000000e+00, v41  }
0x7f: {  	v43 =	vadd.f32 v39, v20;
	(erf) = vrcp.f32 v40;
	v44 =	vadd.f32 $1.000000000e+00, v42  }
0x80: {  	v45 =	vmul.f32 $1.442695020e+00, v63;
	v15 =	vadd.f32 v16, v15;
	v46 =	vpop (erf);
	(erf) = vrcp.f32 v21  }
0x81: {  	v17 =	vadd.f32 v61, v43;
	v47 =	vadd.f32 $1.000000000e+00, v46;
	(erf) = vrcp.f32 v44  }
0x82: {  	v15 =	vmul.f32 $1.442695020e+00, v15;
	(erf) = vpow2.f32 v45  }
0x83: {  	v48 =	vmul.f32 $1.442695020e+00, v17;
	(erf) = vrcp.f32 v47  }
0x84: {  	(erf) = vpow2.f32 v15  }
0x85: {  	(erf) = vpow2.f32 v48;
	_ =	sdelay $0x2  }
0x86: {  	v15 =	vpop (erf)  }
0x87: {  	v49 =	vpop (erf)  }
0x88: {  	v50 =	vpop (erf)  }
0x89: {  	v51 =	vpop (erf)  }
0x8a: {  	v52 =	vpop (erf)  }
0x8b: {  	v18 =	vadd.f32 $1.000000000e+00, v51;
	v53 =	vpop (erf)  }
0x8c: {  	v54 =	vpop (erf);
	v20 =	vadd.f32 $1.000000000e+00, v53  }
0x8d: {  	(erf) = vrcp.f32 v18;
	v55 =	vadd.f32 $1.000000000e+00, v54  }
0x8e: {  	(erf) = vrcp.f32 v20  }
0x8f: {  	[tilespmem:v33+s14+$0x0] =	vst.idx.msk $0xffff, v58;
	(erf) = vrcp.f32 v55  }
0x90: {  	[tilespmem:v31+s14+$0x0] =	vst.idx.msk $0xffff, v34;
	v56 =	vadd.s32 $0x20, v27  }
0x91: {  	v57 =	vadd.s32 $0x20, v25;
	[tilespmem:v28+s14+$0x0] =	vst.idx.msk $0xffff, v60  }
0x92: {  	v58 =	vadd.s32 $0x40, v27;
	[tilespmem:v26+s14+$0x0] =	vst.idx.msk $0xffff, v59  }
0x93: {  	v59 =	vadd.s32 $0x40, v25;
	[tilespmem:v27+s14+$0x0] =	vst.idx.msk $0xffff, v15  }
0x94: {  	v15 =	vadd.s32 $0x20, v58;
	[tilespmem:v25+s14+$0x0] =	vst.idx.msk $0xffff, v37  }
0x95: {  	v60 =	vadd.s32 $0x20, v59;
	[tilespmem:v56+s14+$0x0] =	vst.idx.msk $0xffff, v50  }
0x96: {  	[tilespmem:v57+s14+$0x0] =	vst.idx.msk $0xffff, v49;
	v61 =	vpop (erf)  }
0x97: {  	[tilespmem:v58+s14+$0x0] =	vst.idx.msk $0xffff, v61;
	v62 =	vpop (erf)  }
0x98: {  	s16 =	sadd.s32 $0x1, s16;
	[tilespmem:v59+s14+$0x0] =	vst.idx.msk $0xffff, v52;
	v63 =	vpop (erf)  }
0x99: {  	p0 =	sne.s32 s16, s8;
	[tilespmem:v15+s14+$0x0] =	vst.idx.msk $0xffff, v63  }
.Ltmp1:
0x9a: {  	[tilespmem:v60+s14+$0x0] =	vst.idx.msk $0xffff, v62;
	(pc) =	sbr.rel @p0 .LBB2_1-.Ltmp1, $4  }
0x9b: {  	[hbm4b:s7+s5] =	stream.linear.scatter [tilespmem:s14], [sflag:$0x3], $0x400, $0x38;
	[tilespmem:$0xD80] =	vst v63  }
0x9c: {  	_ =	swait.ge [sflag:s15], $0x400  }
0x9d: {  	[sflag:s15] =	ssyncset.done $0x0  }
0x9e: {  	[sflag:s15] =	ssyncadd.s32 $0xFFFFFC00  }
0x9f: {  	_ =	sfence.sel $0x180000  }
0xa0: {  	[bflag:$0x0] =	sbarrier.arrive $0xFFFF  }
0xa1: {  	p0 =	sne.s32 s3, $0x0;
	_ =	strace $0x90000047  }
0xa2: {  	s0 =	sadd.s32 @!p0 $0x100000, s0;
	[bflag:$0x2] =	sbarrier.arrive $0xFFFF  }
0xa3: {  	[sflag:s0] =	ssyncadd.tile.s32 @!p0 $0x1;
	_ =	shalt  }
.Lfunc_end2:
_tile_overlayer_lowered:
.L_overlay_start_2:
0xa4: {  	(tag) =	ssettag $0x2  }
0xa5: {  	s0 =	rddreg [dreg:$0x0];
	s2 =	stileid.u32  }
0xa6: {  	s1 =	rddreg [dreg:$0x1];
	p0 =	sne.s32 s2, $0x0  }
0xa7: {  	s3 =	rddreg [dreg:$0x2];
	[bflag:$0x3] =	sbarrier.arrive $0xFFFF;
	s2 =	simm.s32 @!p0 $0x1C03  }
0xa8: {  	[timem:s3], [sflag:s2] =	dma.local @!p0 [hbm:s0], s1  }
0xa9: {  	s0 =	simm.s32 @!p0 $0x3  }
0xaa: {  	_ =	swait.ge @!p0 [sflag:s0], s1  }
0xab: {  	s1 =	ssub.s32 @!p0 $0x0, s1;
	[sflag:s0] =	ssyncset.done @!p0 $0x0  }
0xac: {  	[sflag:s0] =	ssyncadd.s32 @!p0 s1  }
0xad: {  	[bflag:$0x3] =	sbarrier.arrive $0xFFFF  }
0xae: {  	_ =	shalt  }

</sc_bundles>
